<compile_context>
chip_gen: v7x
topology: tpu7x:2x2x1
jax: 0.10.2.dev20260603
libtpu: 0.0.44.dev20260713+nightly
codegen_flags: <defaults>
</compile_context>

<pallas_src>
import functools

import jax
import jax.numpy as jnp
from jax import lax
from jax.experimental import pallas as pl
from jax.experimental.pallas import tpu as pltpu
from jax.experimental.pallas import tpu_sc as plsc

_NUM_BUCKETS = 1024
_NUM_HEADS = 4
_EMBED_DIM = 256
_HEAD_DIM = 64
_COMMITMENT_COST = 0.25
_EPSILON = 1e-5
_B, _T = 32, 1024
_N = _B * _T
_R = 1024
_G = _N // _R
_KDIM = _NUM_HEADS * _NUM_BUCKETS
_NROWS = _N * _NUM_HEADS

_NW = 32
_BPW = _NROWS // _NW
_CH = 1024


def _vq_tc_kernel(x_ref, w_ref, b_ref, et_ref,
                  idx_ref, loss_ref, uniq_ref,
                  e_s, counts_acc, sxn2_acc, smax_acc):
    step = pl.program_id(0)

    @pl.when(step == 0)
    def _init():
        counts_acc[...] = jnp.zeros_like(counts_acc)
        sxn2_acc[...] = jnp.zeros_like(sxn2_acc)
        smax_acc[...] = jnp.zeros_like(smax_acc)
        e_s[...] = jnp.zeros_like(e_s)
        for h in range(_NUM_HEADS):
            e_s[h * _HEAD_DIM:(h + 1) * _HEAD_DIM,
                h * _NUM_BUCKETS:(h + 1) * _NUM_BUCKETS] = et_ref[h]

    x = x_ref[...]
    mu = jnp.mean(x, axis=-1, keepdims=True)
    var = jnp.mean((x - mu) ** 2, axis=-1, keepdims=True)
    x = (x - mu) / jnp.sqrt(var + 1e-5) * w_ref[...] + b_ref[...]
    x = jnp.tanh(x / 5.0) * 5.0
    n = jnp.sqrt(jnp.sum(x * x, axis=-1, keepdims=True))
    xn = x / jnp.maximum(n, _EPSILON)
    sxn2_acc[...] += jnp.sum(xn * xn, axis=(0, 1), keepdims=True)

    dist = jnp.dot(xn, e_s[...], preferred_element_type=jnp.float32)

    ihs = []
    for h in range(_NUM_HEADS):
        dh = dist[:, h * _NUM_BUCKETS:(h + 1) * _NUM_BUCKETS]
        mh = jnp.max(dh, axis=-1, keepdims=True)
        smax_acc[...] += jnp.sum(mh, axis=(0, 1), keepdims=True)
        mask = (dh >= mh).astype(jnp.float32)
        counts_acc[:, h * _NUM_BUCKETS:(h + 1) * _NUM_BUCKETS] += (
            jnp.sum(mask, axis=0, keepdims=True))
        iota = lax.broadcasted_iota(jnp.int32, dh.shape, 1)
        cand = jnp.where(dh >= mh, iota, _NUM_BUCKETS)
        ihs.append(jnp.min(cand, axis=-1, keepdims=True) +
                   (h * _NUM_BUCKETS))
    idx_ref[...] = jnp.concatenate(ihs, axis=-1)

    @pl.when(step == _G - 1)
    def _fin():
        normsq = jnp.sum(e_s[...] * e_s[...], axis=0, keepdims=True)
        sq2 = jnp.sum(counts_acc[...] * normsq, axis=(0, 1), keepdims=True)
        num = sxn2_acc[...] + sq2 - 2.0 * smax_acc[...]
        loss_ref[...] = (_COMMITMENT_COST / (_N * _EMBED_DIM)) * num
        c = counts_acc[0:1, 0:_NUM_BUCKETS]
        for h in range(1, _NUM_HEADS):
            c = c + counts_acc[0:1, h * _NUM_BUCKETS:(h + 1) * _NUM_BUCKETS]
        uniq_ref[...] = jnp.sum((c > 0.5).astype(jnp.int32),
                                axis=(0, 1), keepdims=True)


def _tc_stage(x, w, b, et):
    return pl.pallas_call(
        _vq_tc_kernel,
        grid=(_G,),
        in_specs=[
            pl.BlockSpec((_R, _EMBED_DIM), lambda i: (i, 0)),
            pl.BlockSpec((1, _EMBED_DIM), lambda i: (0, 0)),
            pl.BlockSpec((1, _EMBED_DIM), lambda i: (0, 0)),
            pl.BlockSpec((_NUM_HEADS, _HEAD_DIM, _NUM_BUCKETS),
                         lambda i: (0, 0, 0)),
        ],
        out_specs=[
            pl.BlockSpec((_R, _NUM_HEADS), lambda i: (i, 0)),
            pl.BlockSpec((1, 1), lambda i: (0, 0)),
            pl.BlockSpec((1, 1), lambda i: (0, 0)),
        ],
        out_shape=[
            jax.ShapeDtypeStruct((_N, _NUM_HEADS), jnp.int32),
            jax.ShapeDtypeStruct((1, 1), jnp.float32),
            jax.ShapeDtypeStruct((1, 1), jnp.int32),
        ],
        scratch_shapes=[
            pltpu.VMEM((_EMBED_DIM, _KDIM), jnp.float32),
            pltpu.VMEM((1, _KDIM), jnp.float32),
            pltpu.VMEM((1, 1), jnp.float32),
            pltpu.VMEM((1, 1), jnp.float32),
        ],
    )(x, w, b, et)


def _sc_gather(table, gidx):
    mesh = plsc.VectorSubcoreMesh(core_axis_name="c", subcore_axis_name="s")

    @functools.partial(
        pl.kernel,
        mesh=mesh,
        compiler_params=pltpu.CompilerParams(use_tc_tiling_on_sc=False),
        out_type=jax.ShapeDtypeStruct((_NROWS, _HEAD_DIM), jnp.float32),
        scratch_types=[
            pltpu.VMEM((_CH,), jnp.int32),
            pltpu.VMEM((_CH, _HEAD_DIM), jnp.float32),
            pltpu.SemaphoreType.DMA,
        ],
    )
    def k(table_hbm, idx_hbm, out_hbm, idx_v, rows_v, sem):
        wid = lax.axis_index("s") * 2 + lax.axis_index("c")
        base = wid * _BPW

        @pl.loop(0, _BPW, step=_CH)
        def _(off):
            pltpu.sync_copy(idx_hbm.at[pl.ds(base + off, _CH)], idx_v)
            pltpu.async_copy(table_hbm.at[idx_v], rows_v, sem).wait()
            pltpu.sync_copy(rows_v, out_hbm.at[pl.ds(base + off, _CH)])

    return k(table, gidx)


@functools.partial(jax.jit, static_argnames=())
def kernel(inputs, ln_weight, ln_bias, embeddings):
    x = inputs.reshape(_N, _EMBED_DIM)
    w = ln_weight.reshape(1, _EMBED_DIM)
    b = ln_bias.reshape(1, _EMBED_DIM)
    et = jnp.transpose(embeddings, (0, 2, 1))
    table = embeddings.reshape(_KDIM, _HEAD_DIM)

    gidx, loss, uniq = _tc_stage(x, w, b, et)
    q = _sc_gather(table, gidx.reshape(_NROWS))

    quantized_st = q.reshape(_B, _T, _EMBED_DIM)
    return (quantized_st, loss.reshape(()), uniq.reshape(()))

# --- scband reference (transcript-rebuilt; emitter-appended) ---
"""Pipeline reference for scband-emavector-quantizer-66279935311937 (READ-ONLY COPY).

The authoritative reference and input builder live on the scoring server;
editing this copy changes nothing except your own understanding.
"""

import jax, jax.numpy as jnp
import numpy as np

NUM_BUCKETS = 1024
NUM_HEADS = 4
EMBED_DIM = 256
HEAD_DIM = EMBED_DIM // NUM_HEADS
COMMITMENT_COST = 0.25
EPSILON = 1e-5
B, T = 32, 1024


def _layernorm(x, w, b):
    mu = jnp.mean(x, axis=-1, keepdims=True)
    var = jnp.mean((x - mu) ** 2, axis=-1, keepdims=True)
    return (x - mu) / jnp.sqrt(var + 1e-5) * w + b


def _l2_normalize(x, eps):
    n = jnp.linalg.norm(x, ord=2, axis=-1, keepdims=True)
    return x / jnp.maximum(n, eps)


def setup_inputs(seed: int = 0) -> dict:
    key = jax.random.key(seed)
    k1, k2 = jax.random.split(key)
    inputs = jax.random.normal(k1, (B, T, EMBED_DIM), dtype=jnp.float32)
    emb = jax.random.normal(k2, (NUM_HEADS, NUM_BUCKETS, HEAD_DIM), dtype=jnp.float32)
    emb = _l2_normalize(emb, EPSILON)
    ln_weight = jnp.ones((EMBED_DIM,), dtype=jnp.float32)
    ln_bias = jnp.zeros((EMBED_DIM,), dtype=jnp.float32)
    return {"inputs": inputs, "ln_weight": ln_weight, "ln_bias": ln_bias, "embeddings": emb}


def reference(inputs, ln_weight, ln_bias, embeddings):
    # eval-mode forward (no EMA buffer updates, entropy_loss = 0)
    x = _layernorm(inputs, ln_weight, ln_bias)
    x = jnp.tanh(x / 5.0) * 5.0
    Bb, Tt, Dd = x.shape
    x_norm = _l2_normalize(x, EPSILON)
    flat = x_norm.reshape(-1, NUM_HEADS, HEAD_DIM)
    # dist = einsum('nhd,hdk->nhk', flat, embeddings.transpose(0,2,1))
    dist = jnp.einsum('nhd,hkd->nhk', flat, embeddings)
    encoding_indices = jnp.argmax(dist, axis=-1)  # [N, H]
    # per-head gather: quantized[n,h,:] = embeddings[h, idx[n,h], :]
    quantized = embeddings[jnp.arange(NUM_HEADS)[None, :], encoding_indices]  # [N,H,d]
    quantized = quantized.reshape(Bb, Tt, Dd)
    e_latent_loss = jnp.mean((jax.lax.stop_gradient(quantized) - x_norm) ** 2)
    loss = COMMITMENT_COST * e_latent_loss  # entropy_loss = 0 in eval
    quantized_st = x + jax.lax.stop_gradient(quantized - x)
    counts = jnp.bincount(encoding_indices.reshape(-1), length=NUM_BUCKETS)
    unique_count = jnp.sum(counts > 0)
    return (quantized_st, loss, unique_count)

if __name__ == "__main__":
    import jax
    _d = setup_inputs()
    print(jax.jit(kernel)(*tuple(_d.values())))

</pallas_src>

<mosaic_0001>
#map = affine_map<(d0, d1) -> (0, 0)>
#map1 = affine_map<(d0, d1) -> (0)>
module attributes {stable_mosaic.version = 14 : i64} {
  func.func @k(%arg0: i32, %arg1: i32, %arg2: memref<4096x64xf32, #tpu.memory_space<hbm>>, %arg3: memref<131072xi32, #tpu.memory_space<hbm>>, %arg4: memref<131072x64xf32, #tpu.memory_space<hbm>>, %arg5: memref<1024xi32, #tpu.memory_space<vmem>>, %arg6: memref<1024x64xf32, #tpu.memory_space<vmem>>, %arg7: memref<!tpu.dma_semaphore, #tpu.memory_space<semaphore_mem>>) attributes {dimension_semantics = [#tpu.dimension_semantics<core_parallel>, #tpu.dimension_semantics<subcore_parallel>], iteration_bounds = array<i64: 2, 16>, scalar_prefetch = 0 : i64, scratch_operands = 3 : i64, tpu.core_type = #tpu.core_type<sc_vector_subcore>, window_params = [{transform_indices = #map}, {transform_indices = #map1}, {transform_indices = #map}]} {
    %mul3A = arith.constant 2 : i32
    %mul3A_0 = arith.muli %arg1, %mul3A : i32
    %add3A = arith.addi %mul3A_0, %arg0 : i32
    %mul3A_1 = arith.constant 4096 : i32
    %mul3A_2 = arith.muli %add3A, %mul3A_1 : i32
    %scan3A = arith.constant 0 : i32
    %scan3A_3 = arith.constant 4 : i32
    %scan3A_4 = arith.addi %scan3A, %scan3A_3 : i32
    %scan3A_5 = arith.constant 1 : i32
    scf.for %scan3A_7 = %scan3A to %scan3A_4 step %scan3A_5  : i32 {
      %mul3A_8 = arith.constant 1024 : i32
      %mul3A_9 = arith.muli %scan3A_7, %mul3A_8 : i32
      %add3A_10 = arith.constant 0 : i32
      %add3A_11 = arith.addi %add3A_10, %mul3A_9 : i32
      %add3A_12 = arith.addi %mul3A_2, %add3A_11 : i32
      "tpu.region"() ({
        %run_scoped3A = tpu.sem_alloc : memref<!tpu.dma_semaphore, #tpu.memory_space<semaphore_mem>>
        %dma_start3A_18 = tpu.memref_slice %arg3[%add3A_12] : memref<131072xi32, #tpu.memory_space<hbm>> -> memref<1024xi32, #tpu.memory_space<hbm>>
        %dma_start3A_19 = tpu.memref_slice %arg3[%add3A_12] : memref<131072xi32, #tpu.memory_space<hbm>> -> memref<1024xi32, #tpu.memory_space<hbm>>
        tpu.enqueue_dma source(%dma_start3A_19 : memref<1024xi32, #tpu.memory_space<hbm>>) target(%arg5 : memref<1024xi32, #tpu.memory_space<vmem>>) target_semaphore(%run_scoped3A : memref<!tpu.dma_semaphore, #tpu.memory_space<semaphore_mem>>)
        %dma_wait3A_20 = tpu.memref_slice %arg3[%add3A_12] : memref<131072xi32, #tpu.memory_space<hbm>> -> memref<1024xi32, #tpu.memory_space<hbm>>
        %dma_wait3A_21 = tpu.memref_slice %arg3[%add3A_12] : memref<131072xi32, #tpu.memory_space<hbm>> -> memref<1024xi32, #tpu.memory_space<hbm>>
        tpu.wait_dma2 semaphore(%run_scoped3A : memref<!tpu.dma_semaphore, #tpu.memory_space<semaphore_mem>>) src(%dma_wait3A_21 : memref<1024xi32, #tpu.memory_space<hbm>>) dst(%arg5 : memref<1024xi32, #tpu.memory_space<vmem>>)
        tpu.yield
      }) : () -> ()
      %dma_start3A = arith.constant 0 : i32
      %dma_start3A_13 = arith.constant 0 : i32
      %dma_start3A_14 = tpu.memref_slice %arg2[%dma_start3A, %dma_start3A_13] : memref<4096x64xf32, #tpu.memory_space<hbm>> -> memref<4096x64xf32, #tpu.memory_space<hbm>>
      tpu.enqueue_indirect_dma source(%dma_start3A_14 : memref<4096x64xf32, #tpu.memory_space<hbm>>) target(%arg6 : memref<1024x64xf32, #tpu.memory_space<vmem>>) offsets(%arg5 : memref<1024xi32, #tpu.memory_space<vmem>>) semaphore(%arg7 : memref<!tpu.dma_semaphore, #tpu.memory_space<semaphore_mem>>)
      %dma_wait3A = arith.constant 0 : i32
      %dma_wait3A_15 = arith.constant 0 : i32
      %dma_wait3A_16 = tpu.memref_slice %arg2[%dma_wait3A, %dma_wait3A_15] : memref<4096x64xf32, #tpu.memory_space<hbm>> -> memref<4096x64xf32, #tpu.memory_space<hbm>>
      tpu.wait_indirect_dma semaphore(%arg7 : memref<!tpu.dma_semaphore, #tpu.memory_space<semaphore_mem>>) src(%dma_wait3A_16 : memref<4096x64xf32, #tpu.memory_space<hbm>>) dst(%arg6 : memref<1024x64xf32, #tpu.memory_space<vmem>>)
      %add3A_17 = arith.addi %mul3A_2, %add3A_11 : i32
      "tpu.region"() ({
        %run_scoped3A = tpu.sem_alloc : memref<!tpu.dma_semaphore, #tpu.memory_space<semaphore_mem>>
        %dma_start3A_18 = arith.constant 0 : i32
        %dma_start3A_19 = tpu.memref_slice %arg4[%add3A_17, %dma_start3A_18] : memref<131072x64xf32, #tpu.memory_space<hbm>> -> memref<1024x64xf32, #tpu.memory_space<hbm>>
        %dma_start3A_20 = arith.constant 0 : i32
        %dma_start3A_21 = tpu.memref_slice %arg4[%add3A_17, %dma_start3A_20] : memref<131072x64xf32, #tpu.memory_space<hbm>> -> memref<1024x64xf32, #tpu.memory_space<hbm>>
        tpu.enqueue_dma source(%arg6 : memref<1024x64xf32, #tpu.memory_space<vmem>>) target(%dma_start3A_21 : memref<1024x64xf32, #tpu.memory_space<hbm>>) target_semaphore(%run_scoped3A : memref<!tpu.dma_semaphore, #tpu.memory_space<semaphore_mem>>)
        %dma_wait3A_22 = arith.constant 0 : i32
        %dma_wait3A_23 = tpu.memref_slice %arg4[%add3A_17, %dma_wait3A_22] : memref<131072x64xf32, #tpu.memory_space<hbm>> -> memref<1024x64xf32, #tpu.memory_space<hbm>>
        %dma_wait3A_24 = arith.constant 0 : i32
        %dma_wait3A_25 = tpu.memref_slice %arg4[%add3A_17, %dma_wait3A_24] : memref<131072x64xf32, #tpu.memory_space<hbm>> -> memref<1024x64xf32, #tpu.memory_space<hbm>>
        tpu.wait_dma2 semaphore(%run_scoped3A : memref<!tpu.dma_semaphore, #tpu.memory_space<semaphore_mem>>) src(%arg6 : memref<1024x64xf32, #tpu.memory_space<vmem>>) dst(%dma_wait3A_25 : memref<1024x64xf32, #tpu.memory_space<hbm>>)
        tpu.yield
      }) : () -> ()
    }
    %scan3A_6 = arith.constant 4 : i32
    return
  }
}

module attributes {stable_mosaic.version = 14 : i64} {
  func.func @_vq_tc_kernel(%arg0: i32, %arg1: memref<1024x256xf32, #tpu.memory_space<vmem>>, %arg2: memref<1x256xf32, #tpu.memory_space<vmem>>, %arg3: memref<1x256xf32, #tpu.memory_space<vmem>>, %arg4: memref<4x64x1024xf32, #tpu.memory_space<vmem>>, %arg5: memref<1024x4xi32, #tpu.memory_space<vmem>>, %arg6: memref<1x1xf32, #tpu.memory_space<vmem>>, %arg7: memref<1x1xi32, #tpu.memory_space<vmem>>, %arg8: memref<256x4096xf32, #tpu.memory_space<vmem>>, %arg9: memref<1x4096xf32, #tpu.memory_space<vmem>>, %arg10: memref<1x1xf32, #tpu.memory_space<vmem>>, %arg11: memref<1x1xf32, #tpu.memory_space<vmem>>) attributes {dimension_semantics = [#tpu.dimension_semantics<arbitrary>], iteration_bounds = array<i64: 32>, scalar_prefetch = 0 : i64, scratch_operands = 4 : i64, tpu.core_type = #tpu.core_type<tc>, window_params = [{transform_indices = @transform_0, window_bounds = array<i64: 1024, 256>}, {pipeline_mode = #tpu.pipeline_mode<synchronous>, transform_indices = @transform_1, window_bounds = array<i64: 1, 256>}, {pipeline_mode = #tpu.pipeline_mode<synchronous>, transform_indices = @transform_2, window_bounds = array<i64: 1, 256>}, {pipeline_mode = #tpu.pipeline_mode<synchronous>, transform_indices = @transform_3, window_bounds = array<i64: 4, 64, 1024>}, {transform_indices = @transform_4, window_bounds = array<i64: 1024, 4>}, {pipeline_mode = #tpu.pipeline_mode<synchronous>, transform_indices = @transform_5, window_bounds = array<i64: 1, 1>}, {pipeline_mode = #tpu.pipeline_mode<synchronous>, transform_indices = @transform_6, window_bounds = array<i64: 1, 1>}]} {
    %eq3A = arith.constant 0 : i32
    %eq3A_0 = arith.cmpi eq, %arg0, %eq3A : i32
    %convert_element_type3A = arith.extui %eq3A_0 : i1 to i32
    %cond3A = arith.constant 0 : i32
    %cond3A_1 = arith.cmpi ne, %convert_element_type3A, %cond3A : i32
    scf.if %cond3A_1 {
      %broadcast_in_dim3A_234 = arith.constant 0.000000e+00 : f32
      %broadcast_in_dim3A_235 = vector.broadcast %broadcast_in_dim3A_234 : f32 to vector<1x4096xf32>
      %swap3A_236 = arith.constant 0 : index
      %swap3A_237 = arith.constant 0 : index
      %swap3A_238 = vector.load %arg9[%swap3A_236, %swap3A_237] : memref<1x4096xf32, #tpu.memory_space<vmem>>, vector<1x4096xf32>
      tpu.vector_store %arg9[%swap3A_236, %swap3A_237], %broadcast_in_dim3A_235 {strides = array<i32>} : memref<1x4096xf32, #tpu.memory_space<vmem>>, vector<1x4096xf32>,
      %broadcast_in_dim3A_239 = arith.constant 0.000000e+00 : f32
      %broadcast_in_dim3A_240 = vector.broadcast %broadcast_in_dim3A_239 : f32 to vector<1x1xf32>
      %swap3A_241 = arith.constant 0 : index
      %swap3A_242 = arith.constant 0 : index
      %swap3A_243 = vector.load %arg10[%swap3A_241, %swap3A_242] : memref<1x1xf32, #tpu.memory_space<vmem>>, vector<1x1xf32>
      tpu.vector_store %arg10[%swap3A_241, %swap3A_242], %broadcast_in_dim3A_240 {strides = array<i32>} : memref<1x1xf32, #tpu.memory_space<vmem>>, vector<1x1xf32>,
      %broadcast_in_dim3A_244 = arith.constant 0.000000e+00 : f32
      %broadcast_in_dim3A_245 = vector.broadcast %broadcast_in_dim3A_244 : f32 to vector<1x1xf32>
      %swap3A_246 = arith.constant 0 : index
      %swap3A_247 = arith.constant 0 : index
      %swap3A_248 = vector.load %arg11[%swap3A_246, %swap3A_247] : memref<1x1xf32, #tpu.memory_space<vmem>>, vector<1x1xf32>
      tpu.vector_store %arg11[%swap3A_246, %swap3A_247], %broadcast_in_dim3A_245 {strides = array<i32>} : memref<1x1xf32, #tpu.memory_space<vmem>>, vector<1x1xf32>,
      %broadcast_in_dim3A_249 = arith.constant 0.000000e+00 : f32
      %broadcast_in_dim3A_250 = vector.broadcast %broadcast_in_dim3A_249 : f32 to vector<256x4096xf32>
      %swap3A_251 = arith.constant 0 : index
      %swap3A_252 = arith.constant 0 : index
      %swap3A_253 = vector.load %arg8[%swap3A_251, %swap3A_252] : memref<256x4096xf32, #tpu.memory_space<vmem>>, vector<256x4096xf32>
      tpu.vector_store %arg8[%swap3A_251, %swap3A_252], %broadcast_in_dim3A_250 {strides = array<i32>} : memref<256x4096xf32, #tpu.memory_space<vmem>>, vector<256x4096xf32>,
      %get3A_254 = arith.constant 0 : index
      %get3A_255 = arith.constant 0 : index
      %get3A_256 = arith.constant 0 : index
      %get3A_257 = vector.load %arg4[%get3A_254, %get3A_255, %get3A_256] : memref<4x64x1024xf32, #tpu.memory_space<vmem>>, vector<1x64x1024xf32>
      %get3A_258 = vector.shape_cast %get3A_257 : vector<1x64x1024xf32> to vector<64x1024xf32>
      %swap3A_259 = arith.constant 0 : index
      %swap3A_260 = arith.constant 0 : index
      %swap3A_261 = vector.load %arg8[%swap3A_259, %swap3A_260] : memref<256x4096xf32, #tpu.memory_space<vmem>>, vector<64x1024xf32>
      tpu.vector_store %arg8[%swap3A_259, %swap3A_260], %get3A_258 {strides = array<i32>} : memref<256x4096xf32, #tpu.memory_space<vmem>>, vector<64x1024xf32>,
      %get3A_262 = arith.constant 1 : index
      %get3A_263 = arith.constant 0 : index
      %get3A_264 = arith.constant 0 : index
      %get3A_265 = vector.load %arg4[%get3A_262, %get3A_263, %get3A_264] : memref<4x64x1024xf32, #tpu.memory_space<vmem>>, vector<1x64x1024xf32>
      %get3A_266 = vector.shape_cast %get3A_265 : vector<1x64x1024xf32> to vector<64x1024xf32>
      %swap3A_267 = arith.constant 64 : index
      %swap3A_268 = arith.constant 1024 : index
      %swap3A_269 = vector.load %arg8[%swap3A_267, %swap3A_268] : memref<256x4096xf32, #tpu.memory_space<vmem>>, vector<64x1024xf32>
      tpu.vector_store %arg8[%swap3A_267, %swap3A_268], %get3A_266 {strides = array<i32>} : memref<256x4096xf32, #tpu.memory_space<vmem>>, vector<64x1024xf32>,
      %get3A_270 = arith.constant 2 : index
      %get3A_271 = arith.constant 0 : index
      %get3A_272 = arith.constant 0 : index
      %get3A_273 = vector.load %arg4[%get3A_270, %get3A_271, %get3A_272] : memref<4x64x1024xf32, #tpu.memory_space<vmem>>, vector<1x64x1024xf32>
      %get3A_274 = vector.shape_cast %get3A_273 : vector<1x64x1024xf32> to vector<64x1024xf32>
      %swap3A_275 = arith.constant 128 : index
      %swap3A_276 = arith.constant 2048 : index
      %swap3A_277 = vector.load %arg8[%swap3A_275, %swap3A_276] : memref<256x4096xf32, #tpu.memory_space<vmem>>, vector<64x1024xf32>
      tpu.vector_store %arg8[%swap3A_275, %swap3A_276], %get3A_274 {strides = array<i32>} : memref<256x4096xf32, #tpu.memory_space<vmem>>, vector<64x1024xf32>,
      %get3A_278 = arith.constant 3 : index
      %get3A_279 = arith.constant 0 : index
      %get3A_280 = arith.constant 0 : index
      %get3A_281 = vector.load %arg4[%get3A_278, %get3A_279, %get3A_280] : memref<4x64x1024xf32, #tpu.memory_space<vmem>>, vector<1x64x1024xf32>
      %get3A_282 = vector.shape_cast %get3A_281 : vector<1x64x1024xf32> to vector<64x1024xf32>
      %swap3A_283 = arith.constant 192 : index
      %swap3A_284 = arith.constant 3072 : index
      %swap3A_285 = vector.load %arg8[%swap3A_283, %swap3A_284] : memref<256x4096xf32, #tpu.memory_space<vmem>>, vector<64x1024xf32>
      tpu.vector_store %arg8[%swap3A_283, %swap3A_284], %get3A_282 {strides = array<i32>} : memref<256x4096xf32, #tpu.memory_space<vmem>>, vector<64x1024xf32>,
    } else {
    }
    %get3A = arith.constant 0 : index
    %get3A_2 = arith.constant 0 : index
    %get3A_3 = vector.load %arg1[%get3A, %get3A_2] : memref<1024x256xf32, #tpu.memory_space<vmem>>, vector<1024x256xf32>
    %reduce_sum3A = arith.constant dense<0.000000e+00> : vector<1024xf32>
    %reduce_sum3A_4 = vector.multi_reduction <add>, %get3A_3, %reduce_sum3A [1] : vector<1024x256xf32> to vector<1024xf32>
    %broadcast_in_dim3A = vector.shape_cast %reduce_sum3A_4 : vector<1024xf32> to vector<1024x1xf32>
    %div3A = arith.constant 2.560000e+02 : f32
    %div3A_5 = vector.broadcast %div3A : f32 to vector<1024x1xf32>
    %div3A_6 = arith.divf %broadcast_in_dim3A, %div3A_5 : vector<1024x1xf32>
    %sub3A = vector.broadcast %div3A_6 : vector<1024x1xf32> to vector<1024x256xf32>
    %sub3A_7 = arith.subf %get3A_3, %sub3A : vector<1024x256xf32>
    %integer_pow3A = arith.mulf %sub3A_7, %sub3A_7 : vector<1024x256xf32>
    %reduce_sum3A_8 = arith.constant dense<0.000000e+00> : vector<1024xf32>
    %reduce_sum3A_9 = vector.multi_reduction <add>, %integer_pow3A, %reduce_sum3A_8 [1] : vector<1024x256xf32> to vector<1024xf32>
    %broadcast_in_dim3A_10 = vector.shape_cast %reduce_sum3A_9 : vector<1024xf32> to vector<1024x1xf32>
    %div3A_11 = arith.constant 2.560000e+02 : f32
    %div3A_12 = vector.broadcast %div3A_11 : f32 to vector<1024x1xf32>
    %div3A_13 = arith.divf %broadcast_in_dim3A_10, %div3A_12 : vector<1024x1xf32>
    %sub3A_14 = vector.broadcast %div3A_6 : vector<1024x1xf32> to vector<1024x256xf32>
    %sub3A_15 = arith.subf %get3A_3, %sub3A_14 : vector<1024x256xf32>
    %add3A = arith.constant 9.99999974E-6 : f32
    %add3A_16 = vector.broadcast %add3A : f32 to vector<1024x1xf32>
    %add3A_17 = arith.addf %div3A_13, %add3A_16 : vector<1024x1xf32>
    %sqrt3A = math.sqrt %add3A_17 : vector<1024x1xf32>
    %div3A_18 = vector.broadcast %sqrt3A : vector<1024x1xf32> to vector<1024x256xf32>
    %div3A_19 = arith.divf %sub3A_15, %div3A_18 : vector<1024x256xf32>
    %get3A_20 = arith.constant 0 : index
    %get3A_21 = arith.constant 0 : index
    %get3A_22 = vector.load %arg2[%get3A_20, %get3A_21] : memref<1x256xf32, #tpu.memory_space<vmem>>, vector<1x256xf32>
    %mul3A = vector.broadcast %get3A_22 : vector<1x256xf32> to vector<1024x256xf32>
    %mul3A_23 = arith.mulf %div3A_19, %mul3A : vector<1024x256xf32>
    %get3A_24 = arith.constant 0 : index
    %get3A_25 = arith.constant 0 : index
    %get3A_26 = vector.load %arg3[%get3A_24, %get3A_25] : memref<1x256xf32, #tpu.memory_space<vmem>>, vector<1x256xf32>
    %add3A_27 = vector.broadcast %get3A_26 : vector<1x256xf32> to vector<1024x256xf32>
    %add3A_28 = arith.addf %mul3A_23, %add3A_27 : vector<1024x256xf32>
    %div3A_29 = arith.constant 5.000000e+00 : f32
    %div3A_30 = vector.broadcast %div3A_29 : f32 to vector<1024x256xf32>
    %div3A_31 = arith.divf %add3A_28, %div3A_30 : vector<1024x256xf32>
    %tanh3A = math.tanh %div3A_31 : vector<1024x256xf32>
    %mul3A_32 = arith.constant 5.000000e+00 : f32
    %mul3A_33 = vector.broadcast %mul3A_32 : f32 to vector<1024x256xf32>
    %mul3A_34 = arith.mulf %tanh3A, %mul3A_33 : vector<1024x256xf32>
    %mul3A_35 = arith.mulf %mul3A_34, %mul3A_34 : vector<1024x256xf32>
    %reduce_sum3A_36 = arith.constant dense<0.000000e+00> : vector<1024xf32>
    %reduce_sum3A_37 = vector.multi_reduction <add>, %mul3A_35, %reduce_sum3A_36 [1] : vector<1024x256xf32> to vector<1024xf32>
    %broadcast_in_dim3A_38 = vector.shape_cast %reduce_sum3A_37 : vector<1024xf32> to vector<1024x1xf32>
    %sqrt3A_39 = math.sqrt %broadcast_in_dim3A_38 : vector<1024x1xf32>
    %max3A = arith.constant 9.99999974E-6 : f32
    %max3A_40 = vector.broadcast %max3A : f32 to vector<1024x1xf32>
    %max3A_41 = arith.maximumf %sqrt3A_39, %max3A_40 : vector<1024x1xf32>
    %div3A_42 = vector.broadcast %max3A_41 : vector<1024x1xf32> to vector<1024x256xf32>
    %div3A_43 = arith.divf %mul3A_34, %div3A_42 : vector<1024x256xf32>
    %get3A_44 = arith.constant 0 : index
    %get3A_45 = arith.constant 0 : index
    %get3A_46 = vector.load %arg10[%get3A_44, %get3A_45] : memref<1x1xf32, #tpu.memory_space<vmem>>, vector<1x1xf32>
    %mul3A_47 = arith.mulf %div3A_43, %div3A_43 : vector<1024x256xf32>
    %reduce_sum3A_48 = vector.shape_cast %mul3A_47 : vector<1024x256xf32> to vector<1x1024x256xf32>
    %reduce_sum3A_49 = arith.constant dense<0.000000e+00> : vector<1xf32>
    %reduce_sum3A_50 = vector.multi_reduction <add>, %reduce_sum3A_48, %reduce_sum3A_49 [1, 2] : vector<1x1024x256xf32> to vector<1xf32>
    %reduce_sum3A_51 = vector.shape_cast %reduce_sum3A_50 : vector<1xf32> to vector<1x1x1xf32>
    %reduce_sum3A_52 = vector.extract %reduce_sum3A_51[0, 0, 0] : f32 from vector<1x1x1xf32>
    %broadcast_in_dim3A_53 = vector.broadcast %reduce_sum3A_52 : f32 to vector<1x1xf32>
    %add3A_54 = arith.addf %get3A_46, %broadcast_in_dim3A_53 : vector<1x1xf32>
    %swap3A = arith.constant 0 : index
    %swap3A_55 = arith.constant 0 : index
    %swap3A_56 = vector.load %arg10[%swap3A, %swap3A_55] : memref<1x1xf32, #tpu.memory_space<vmem>>, vector<1x1xf32>
    tpu.vector_store %arg10[%swap3A, %swap3A_55], %add3A_54 {strides = array<i32>} : memref<1x1xf32, #tpu.memory_space<vmem>>, vector<1x1xf32>,
    %get3A_57 = arith.constant 0 : index
    %get3A_58 = arith.constant 0 : index
    %get3A_59 = vector.load %arg8[%get3A_57, %get3A_58] : memref<256x4096xf32, #tpu.memory_space<vmem>>, vector<256x4096xf32>
    %dot_general3A = arith.constant dense<0.000000e+00> : vector<1024x4096xf32>
    %dot_general3A_60 = tpu.matmul %div3A_43, %get3A_59, %dot_general3A {dimension_numbers = #tpu.dot_dimension_numbers<[1], [0], [0], [1], [0, 0, 1, 1], [], []>, transpose_lhs_hint = false} : vector<1024x256xf32>, vector<256x4096xf32>, vector<1024x4096xf32> -> vector<1024x4096xf32>
    %slice3A = vector.extract_strided_slice %dot_general3A_60 {offsets = [0, 0], sizes = [1024, 1024], strides = [1, 1]} : vector<1024x4096xf32> to vector<1024x1024xf32>
    %reduce_max3A = arith.constant dense<0xFF800000> : vector<1024xf32>
    %reduce_max3A_61 = vector.multi_reduction <maximumf>, %slice3A, %reduce_max3A [1] : vector<1024x1024xf32> to vector<1024xf32>
    %broadcast_in_dim3A_62 = vector.shape_cast %reduce_max3A_61 : vector<1024xf32> to vector<1024x1xf32>
    %get3A_63 = arith.constant 0 : index
    %get3A_64 = arith.constant 0 : index
    %get3A_65 = vector.load %arg11[%get3A_63, %get3A_64] : memref<1x1xf32, #tpu.memory_space<vmem>>, vector<1x1xf32>
    %reduce_sum3A_66 = vector.shape_cast %broadcast_in_dim3A_62 : vector<1024x1xf32> to vector<1x1024x1xf32>
    %reduce_sum3A_67 = arith.constant dense<0.000000e+00> : vector<1xf32>
    %reduce_sum3A_68 = vector.multi_reduction <add>, %reduce_sum3A_66, %reduce_sum3A_67 [1, 2] : vector<1x1024x1xf32> to vector<1xf32>
    %reduce_sum3A_69 = vector.shape_cast %reduce_sum3A_68 : vector<1xf32> to vector<1x1x1xf32>
    %reduce_sum3A_70 = vector.extract %reduce_sum3A_69[0, 0, 0] : f32 from vector<1x1x1xf32>
    %broadcast_in_dim3A_71 = vector.broadcast %reduce_sum3A_70 : f32 to vector<1x1xf32>
    %add3A_72 = arith.addf %get3A_65, %broadcast_in_dim3A_71 : vector<1x1xf32>
    %swap3A_73 = arith.constant 0 : index
    %swap3A_74 = arith.constant 0 : index
    %swap3A_75 = vector.load %arg11[%swap3A_73, %swap3A_74] : memref<1x1xf32, #tpu.memory_space<vmem>>, vector<1x1xf32>
    tpu.vector_store %arg11[%swap3A_73, %swap3A_74], %add3A_72 {strides = array<i32>} : memref<1x1xf32, #tpu.memory_space<vmem>>, vector<1x1xf32>,
    %ge3A = vector.broadcast %broadcast_in_dim3A_62 : vector<1024x1xf32> to vector<1024x1024xf32>
    %ge3A_76 = arith.cmpf oge, %slice3A, %ge3A : vector<1024x1024xf32>
    %convert_element_type3A_77 = arith.extui %ge3A_76 : vector<1024x1024xi1> to vector<1024x1024xi32>
    %convert_element_type3A_78 = arith.sitofp %convert_element_type3A_77 : vector<1024x1024xi32> to vector<1024x1024xf32>
    %get3A_79 = arith.constant 0 : index
    %get3A_80 = arith.constant 0 : index
    %get3A_81 = vector.load %arg9[%get3A_79, %get3A_80] : memref<1x4096xf32, #tpu.memory_space<vmem>>, vector<1x1024xf32>
    %reduce_sum3A_82 = arith.constant dense<0.000000e+00> : vector<1024xf32>
    %reduce_sum3A_83 = vector.multi_reduction <add>, %convert_element_type3A_78, %reduce_sum3A_82 [0] : vector<1024x1024xf32> to vector<1024xf32>
    %broadcast_in_dim3A_84 = vector.shape_cast %reduce_sum3A_83 : vector<1024xf32> to vector<1x1024xf32>
    %add3A_85 = arith.addf %get3A_81, %broadcast_in_dim3A_84 : vector<1x1024xf32>
    %swap3A_86 = arith.constant 0 : index
    %swap3A_87 = arith.constant 0 : index
    %swap3A_88 = vector.load %arg9[%swap3A_86, %swap3A_87] : memref<1x4096xf32, #tpu.memory_space<vmem>>, vector<1x1024xf32>
    tpu.vector_store %arg9[%swap3A_86, %swap3A_87], %add3A_85 {strides = array<i32>} : memref<1x4096xf32, #tpu.memory_space<vmem>>, vector<1x1024xf32>,
    %iota3A = tpu.iota {dimensions = array<i32: 1>} : vector<1024x1024xi32>
    %ge3A_89 = vector.broadcast %broadcast_in_dim3A_62 : vector<1024x1xf32> to vector<1024x1024xf32>
    %ge3A_90 = arith.cmpf oge, %slice3A, %ge3A_89 : vector<1024x1024xf32>
    %jit3A = arith.constant 1024 : i32
    %broadcast_in_dim3A_91 = vector.broadcast %jit3A : i32 to vector<1024x1024xi32>
    %select_n3A = arith.select %ge3A_90, %iota3A, %broadcast_in_dim3A_91 : vector<1024x1024xi1>, vector<1024x1024xi32>
    %reduce_min3A = arith.constant dense<2147483647> : vector<1024xi32>
    %reduce_min3A_92 = vector.multi_reduction <minsi>, %select_n3A, %reduce_min3A [1] : vector<1024x1024xi32> to vector<1024xi32>
    %broadcast_in_dim3A_93 = vector.shape_cast %reduce_min3A_92 : vector<1024xi32> to vector<1024x1xi32>
    %add3A_94 = arith.constant 0 : i32
    %add3A_95 = vector.broadcast %add3A_94 : i32 to vector<1024x1xi32>
    %add3A_96 = arith.addi %broadcast_in_dim3A_93, %add3A_95 : vector<1024x1xi32>
    %slice3A_97 = vector.extract_strided_slice %dot_general3A_60 {offsets = [0, 1024], sizes = [1024, 1024], strides = [1, 1]} : vector<1024x4096xf32> to vector<1024x1024xf32>
    %reduce_max3A_98 = arith.constant dense<0xFF800000> : vector<1024xf32>
    %reduce_max3A_99 = vector.multi_reduction <maximumf>, %slice3A_97, %reduce_max3A_98 [1] : vector<1024x1024xf32> to vector<1024xf32>
    %broadcast_in_dim3A_100 = vector.shape_cast %reduce_max3A_99 : vector<1024xf32> to vector<1024x1xf32>
    %get3A_101 = arith.constant 0 : index
    %get3A_102 = arith.constant 0 : index
    %get3A_103 = vector.load %arg11[%get3A_101, %get3A_102] : memref<1x1xf32, #tpu.memory_space<vmem>>, vector<1x1xf32>
    %reduce_sum3A_104 = vector.shape_cast %broadcast_in_dim3A_100 : vector<1024x1xf32> to vector<1x1024x1xf32>
    %reduce_sum3A_105 = arith.constant dense<0.000000e+00> : vector<1xf32>
    %reduce_sum3A_106 = vector.multi_reduction <add>, %reduce_sum3A_104, %reduce_sum3A_105 [1, 2] : vector<1x1024x1xf32> to vector<1xf32>
    %reduce_sum3A_107 = vector.shape_cast %reduce_sum3A_106 : vector<1xf32> to vector<1x1x1xf32>
    %reduce_sum3A_108 = vector.extract %reduce_sum3A_107[0, 0, 0] : f32 from vector<1x1x1xf32>
    %broadcast_in_dim3A_109 = vector.broadcast %reduce_sum3A_108 : f32 to vector<1x1xf32>
    %add3A_110 = arith.addf %get3A_103, %broadcast_in_dim3A_109 : vector<1x1xf32>
    %swap3A_111 = arith.constant 0 : index
    %swap3A_112 = arith.constant 0 : index
    %swap3A_113 = vector.load %arg11[%swap3A_111, %swap3A_112] : memref<1x1xf32, #tpu.memory_space<vmem>>, vector<1x1xf32>
    tpu.vector_store %arg11[%swap3A_111, %swap3A_112], %add3A_110 {strides = array<i32>} : memref<1x1xf32, #tpu.memory_space<vmem>>, vector<1x1xf32>,
    %ge3A_114 = vector.broadcast %broadcast_in_dim3A_100 : vector<1024x1xf32> to vector<1024x1024xf32>
    %ge3A_115 = arith.cmpf oge, %slice3A_97, %ge3A_114 : vector<1024x1024xf32>
    %convert_element_type3A_116 = arith.extui %ge3A_115 : vector<1024x1024xi1> to vector<1024x1024xi32>
    %convert_element_type3A_117 = arith.sitofp %convert_element_type3A_116 : vector<1024x1024xi32> to vector<1024x1024xf32>
    %get3A_118 = arith.constant 0 : index
    %get3A_119 = arith.constant 1024 : index
    %get3A_120 = vector.load %arg9[%get3A_118, %get3A_119] : memref<1x4096xf32, #tpu.memory_space<vmem>>, vector<1x1024xf32>
    %reduce_sum3A_121 = arith.constant dense<0.000000e+00> : vector<1024xf32>
    %reduce_sum3A_122 = vector.multi_reduction <add>, %convert_element_type3A_117, %reduce_sum3A_121 [0] : vector<1024x1024xf32> to vector<1024xf32>
    %broadcast_in_dim3A_123 = vector.shape_cast %reduce_sum3A_122 : vector<1024xf32> to vector<1x1024xf32>
    %add3A_124 = arith.addf %get3A_120, %broadcast_in_dim3A_123 : vector<1x1024xf32>
    %swap3A_125 = arith.constant 0 : index
    %swap3A_126 = arith.constant 1024 : index
    %swap3A_127 = vector.load %arg9[%swap3A_125, %swap3A_126] : memref<1x4096xf32, #tpu.memory_space<vmem>>, vector<1x1024xf32>
    tpu.vector_store %arg9[%swap3A_125, %swap3A_126], %add3A_124 {strides = array<i32>} : memref<1x4096xf32, #tpu.memory_space<vmem>>, vector<1x1024xf32>,
    %iota3A_128 = tpu.iota {dimensions = array<i32: 1>} : vector<1024x1024xi32>
    %ge3A_129 = vector.broadcast %broadcast_in_dim3A_100 : vector<1024x1xf32> to vector<1024x1024xf32>
    %ge3A_130 = arith.cmpf oge, %slice3A_97, %ge3A_129 : vector<1024x1024xf32>
    %jit3A_131 = arith.constant 1024 : i32
    %broadcast_in_dim3A_132 = vector.broadcast %jit3A_131 : i32 to vector<1024x1024xi32>
    %select_n3A_133 = arith.select %ge3A_130, %iota3A_128, %broadcast_in_dim3A_132 : vector<1024x1024xi1>, vector<1024x1024xi32>
    %reduce_min3A_134 = arith.constant dense<2147483647> : vector<1024xi32>
    %reduce_min3A_135 = vector.multi_reduction <minsi>, %select_n3A_133, %reduce_min3A_134 [1] : vector<1024x1024xi32> to vector<1024xi32>
    %broadcast_in_dim3A_136 = vector.shape_cast %reduce_min3A_135 : vector<1024xi32> to vector<1024x1xi32>
    %add3A_137 = arith.constant 1024 : i32
    %add3A_138 = vector.broadcast %add3A_137 : i32 to vector<1024x1xi32>
    %add3A_139 = arith.addi %broadcast_in_dim3A_136, %add3A_138 : vector<1024x1xi32>
    %slice3A_140 = vector.extract_strided_slice %dot_general3A_60 {offsets = [0, 2048], sizes = [1024, 1024], strides = [1, 1]} : vector<1024x4096xf32> to vector<1024x1024xf32>
    %reduce_max3A_141 = arith.constant dense<0xFF800000> : vector<1024xf32>
    %reduce_max3A_142 = vector.multi_reduction <maximumf>, %slice3A_140, %reduce_max3A_141 [1] : vector<1024x1024xf32> to vector<1024xf32>
    %broadcast_in_dim3A_143 = vector.shape_cast %reduce_max3A_142 : vector<1024xf32> to vector<1024x1xf32>
    %get3A_144 = arith.constant 0 : index
    %get3A_145 = arith.constant 0 : index
    %get3A_146 = vector.load %arg11[%get3A_144, %get3A_145] : memref<1x1xf32, #tpu.memory_space<vmem>>, vector<1x1xf32>
    %reduce_sum3A_147 = vector.shape_cast %broadcast_in_dim3A_143 : vector<1024x1xf32> to vector<1x1024x1xf32>
    %reduce_sum3A_148 = arith.constant dense<0.000000e+00> : vector<1xf32>
    %reduce_sum3A_149 = vector.multi_reduction <add>, %reduce_sum3A_147, %reduce_sum3A_148 [1, 2] : vector<1x1024x1xf32> to vector<1xf32>
    %reduce_sum3A_150 = vector.shape_cast %reduce_sum3A_149 : vector<1xf32> to vector<1x1x1xf32>
    %reduce_sum3A_151 = vector.extract %reduce_sum3A_150[0, 0, 0] : f32 from vector<1x1x1xf32>
    %broadcast_in_dim3A_152 = vector.broadcast %reduce_sum3A_151 : f32 to vector<1x1xf32>
    %add3A_153 = arith.addf %get3A_146, %broadcast_in_dim3A_152 : vector<1x1xf32>
    %swap3A_154 = arith.constant 0 : index
    %swap3A_155 = arith.constant 0 : index
    %swap3A_156 = vector.load %arg11[%swap3A_154, %swap3A_155] : memref<1x1xf32, #tpu.memory_space<vmem>>, vector<1x1xf32>
    tpu.vector_store %arg11[%swap3A_154, %swap3A_155], %add3A_153 {strides = array<i32>} : memref<1x1xf32, #tpu.memory_space<vmem>>, vector<1x1xf32>,
    %ge3A_157 = vector.broadcast %broadcast_in_dim3A_143 : vector<1024x1xf32> to vector<1024x1024xf32>
    %ge3A_158 = arith.cmpf oge, %slice3A_140, %ge3A_157 : vector<1024x1024xf32>
    %convert_element_type3A_159 = arith.extui %ge3A_158 : vector<1024x1024xi1> to vector<1024x1024xi32>
    %convert_element_type3A_160 = arith.sitofp %convert_element_type3A_159 : vector<1024x1024xi32> to vector<1024x1024xf32>
    %get3A_161 = arith.constant 0 : index
    %get3A_162 = arith.constant 2048 : index
    %get3A_163 = vector.load %arg9[%get3A_161, %get3A_162] : memref<1x4096xf32, #tpu.memory_space<vmem>>, vector<1x1024xf32>
    %reduce_sum3A_164 = arith.constant dense<0.000000e+00> : vector<1024xf32>
    %reduce_sum3A_165 = vector.multi_reduction <add>, %convert_element_type3A_160, %reduce_sum3A_164 [0] : vector<1024x1024xf32> to vector<1024xf32>
    %broadcast_in_dim3A_166 = vector.shape_cast %reduce_sum3A_165 : vector<1024xf32> to vector<1x1024xf32>
    %add3A_167 = arith.addf %get3A_163, %broadcast_in_dim3A_166 : vector<1x1024xf32>
    %swap3A_168 = arith.constant 0 : index
    %swap3A_169 = arith.constant 2048 : index
    %swap3A_170 = vector.load %arg9[%swap3A_168, %swap3A_169] : memref<1x4096xf32, #tpu.memory_space<vmem>>, vector<1x1024xf32>
    tpu.vector_store %arg9[%swap3A_168, %swap3A_169], %add3A_167 {strides = array<i32>} : memref<1x4096xf32, #tpu.memory_space<vmem>>, vector<1x1024xf32>,
    %iota3A_171 = tpu.iota {dimensions = array<i32: 1>} : vector<1024x1024xi32>
    %ge3A_172 = vector.broadcast %broadcast_in_dim3A_143 : vector<1024x1xf32> to vector<1024x1024xf32>
    %ge3A_173 = arith.cmpf oge, %slice3A_140, %ge3A_172 : vector<1024x1024xf32>
    %jit3A_174 = arith.constant 1024 : i32
    %broadcast_in_dim3A_175 = vector.broadcast %jit3A_174 : i32 to vector<1024x1024xi32>
    %select_n3A_176 = arith.select %ge3A_173, %iota3A_171, %broadcast_in_dim3A_175 : vector<1024x1024xi1>, vector<1024x1024xi32>
    %reduce_min3A_177 = arith.constant dense<2147483647> : vector<1024xi32>
    %reduce_min3A_178 = vector.multi_reduction <minsi>, %select_n3A_176, %reduce_min3A_177 [1] : vector<1024x1024xi32> to vector<1024xi32>
    %broadcast_in_dim3A_179 = vector.shape_cast %reduce_min3A_178 : vector<1024xi32> to vector<1024x1xi32>
    %add3A_180 = arith.constant 2048 : i32
    %add3A_181 = vector.broadcast %add3A_180 : i32 to vector<1024x1xi32>
    %add3A_182 = arith.addi %broadcast_in_dim3A_179, %add3A_181 : vector<1024x1xi32>
    %slice3A_183 = vector.extract_strided_slice %dot_general3A_60 {offsets = [0, 3072], sizes = [1024, 1024], strides = [1, 1]} : vector<1024x4096xf32> to vector<1024x1024xf32>
    %reduce_max3A_184 = arith.constant dense<0xFF800000> : vector<1024xf32>
    %reduce_max3A_185 = vector.multi_reduction <maximumf>, %slice3A_183, %reduce_max3A_184 [1] : vector<1024x1024xf32> to vector<1024xf32>
    %broadcast_in_dim3A_186 = vector.shape_cast %reduce_max3A_185 : vector<1024xf32> to vector<1024x1xf32>
    %get3A_187 = arith.constant 0 : index
    %get3A_188 = arith.constant 0 : index
    %get3A_189 = vector.load %arg11[%get3A_187, %get3A_188] : memref<1x1xf32, #tpu.memory_space<vmem>>, vector<1x1xf32>
    %reduce_sum3A_190 = vector.shape_cast %broadcast_in_dim3A_186 : vector<1024x1xf32> to vector<1x1024x1xf32>
    %reduce_sum3A_191 = arith.constant dense<0.000000e+00> : vector<1xf32>
    %reduce_sum3A_192 = vector.multi_reduction <add>, %reduce_sum3A_190, %reduce_sum3A_191 [1, 2] : vector<1x1024x1xf32> to vector<1xf32>
    %reduce_sum3A_193 = vector.shape_cast %reduce_sum3A_192 : vector<1xf32> to vector<1x1x1xf32>
    %reduce_sum3A_194 = vector.extract %reduce_sum3A_193[0, 0, 0] : f32 from vector<1x1x1xf32>
    %broadcast_in_dim3A_195 = vector.broadcast %reduce_sum3A_194 : f32 to vector<1x1xf32>
    %add3A_196 = arith.addf %get3A_189, %broadcast_in_dim3A_195 : vector<1x1xf32>
    %swap3A_197 = arith.constant 0 : index
    %swap3A_198 = arith.constant 0 : index
    %swap3A_199 = vector.load %arg11[%swap3A_197, %swap3A_198] : memref<1x1xf32, #tpu.memory_space<vmem>>, vector<1x1xf32>
    tpu.vector_store %arg11[%swap3A_197, %swap3A_198], %add3A_196 {strides = array<i32>} : memref<1x1xf32, #tpu.memory_space<vmem>>, vector<1x1xf32>,
    %ge3A_200 = vector.broadcast %broadcast_in_dim3A_186 : vector<1024x1xf32> to vector<1024x1024xf32>
    %ge3A_201 = arith.cmpf oge, %slice3A_183, %ge3A_200 : vector<1024x1024xf32>
    %convert_element_type3A_202 = arith.extui %ge3A_201 : vector<1024x1024xi1> to vector<1024x1024xi32>
    %convert_element_type3A_203 = arith.sitofp %convert_element_type3A_202 : vector<1024x1024xi32> to vector<1024x1024xf32>
    %get3A_204 = arith.constant 0 : index
    %get3A_205 = arith.constant 3072 : index
    %get3A_206 = vector.load %arg9[%get3A_204, %get3A_205] : memref<1x4096xf32, #tpu.memory_space<vmem>>, vector<1x1024xf32>
    %reduce_sum3A_207 = arith.constant dense<0.000000e+00> : vector<1024xf32>
    %reduce_sum3A_208 = vector.multi_reduction <add>, %convert_element_type3A_203, %reduce_sum3A_207 [0] : vector<1024x1024xf32> to vector<1024xf32>
    %broadcast_in_dim3A_209 = vector.shape_cast %reduce_sum3A_208 : vector<1024xf32> to vector<1x1024xf32>
    %add3A_210 = arith.addf %get3A_206, %broadcast_in_dim3A_209 : vector<1x1024xf32>
    %swap3A_211 = arith.constant 0 : index
    %swap3A_212 = arith.constant 3072 : index
    %swap3A_213 = vector.load %arg9[%swap3A_211, %swap3A_212] : memref<1x4096xf32, #tpu.memory_space<vmem>>, vector<1x1024xf32>
    tpu.vector_store %arg9[%swap3A_211, %swap3A_212], %add3A_210 {strides = array<i32>} : memref<1x4096xf32, #tpu.memory_space<vmem>>, vector<1x1024xf32>,
    %iota3A_214 = tpu.iota {dimensions = array<i32: 1>} : vector<1024x1024xi32>
    %ge3A_215 = vector.broadcast %broadcast_in_dim3A_186 : vector<1024x1xf32> to vector<1024x1024xf32>
    %ge3A_216 = arith.cmpf oge, %slice3A_183, %ge3A_215 : vector<1024x1024xf32>
    %jit3A_217 = arith.constant 1024 : i32
    %broadcast_in_dim3A_218 = vector.broadcast %jit3A_217 : i32 to vector<1024x1024xi32>
    %select_n3A_219 = arith.select %ge3A_216, %iota3A_214, %broadcast_in_dim3A_218 : vector<1024x1024xi1>, vector<1024x1024xi32>
    %reduce_min3A_220 = arith.constant dense<2147483647> : vector<1024xi32>
    %reduce_min3A_221 = vector.multi_reduction <minsi>, %select_n3A_219, %reduce_min3A_220 [1] : vector<1024x1024xi32> to vector<1024xi32>
    %broadcast_in_dim3A_222 = vector.shape_cast %reduce_min3A_221 : vector<1024xi32> to vector<1024x1xi32>
    %add3A_223 = arith.constant 3072 : i32
    %add3A_224 = vector.broadcast %add3A_223 : i32 to vector<1024x1xi32>
    %add3A_225 = arith.addi %broadcast_in_dim3A_222, %add3A_224 : vector<1024x1xi32>
    %concatenate3A = tpu.concatenate %add3A_96, %add3A_139, %add3A_182, %add3A_225 in 1 : vector<1024x1xi32>, vector<1024x1xi32>, vector<1024x1xi32>, vector<1024x1xi32> -> vector<1024x4xi32>
    %swap3A_226 = arith.constant 0 : index
    %swap3A_227 = arith.constant 0 : index
    %swap3A_228 = vector.load %arg5[%swap3A_226, %swap3A_227] : memref<1024x4xi32, #tpu.memory_space<vmem>>, vector<1024x4xi32>
    tpu.vector_store %arg5[%swap3A_226, %swap3A_227], %concatenate3A {strides = array<i32>} : memref<1024x4xi32, #tpu.memory_space<vmem>>, vector<1024x4xi32>,
    %eq3A_229 = arith.constant 31 : i32
    %eq3A_230 = arith.cmpi eq, %arg0, %eq3A_229 : i32
    %convert_element_type3A_231 = arith.extui %eq3A_230 : i1 to i32
    %cond3A_232 = arith.constant 0 : i32
    %cond3A_233 = arith.cmpi ne, %convert_element_type3A_231, %cond3A_232 : i32
    scf.if %cond3A_233 {
      %get3A_234 = arith.constant 0 : index
      %get3A_235 = arith.constant 0 : index
      %get3A_236 = vector.load %arg8[%get3A_234, %get3A_235] : memref<256x4096xf32, #tpu.memory_space<vmem>>, vector<256x4096xf32>
      %get3A_237 = arith.constant 0 : index
      %get3A_238 = arith.constant 0 : index
      %get3A_239 = vector.load %arg8[%get3A_237, %get3A_238] : memref<256x4096xf32, #tpu.memory_space<vmem>>, vector<256x4096xf32>
      %mul3A_240 = arith.mulf %get3A_236, %get3A_239 : vector<256x4096xf32>
      %reduce_sum3A_241 = arith.constant dense<0.000000e+00> : vector<4096xf32>
      %reduce_sum3A_242 = vector.multi_reduction <add>, %mul3A_240, %reduce_sum3A_241 [0] : vector<256x4096xf32> to vector<4096xf32>
      %broadcast_in_dim3A_243 = vector.shape_cast %reduce_sum3A_242 : vector<4096xf32> to vector<1x4096xf32>
      %get3A_244 = arith.constant 0 : index
      %get3A_245 = arith.constant 0 : index
      %get3A_246 = vector.load %arg9[%get3A_244, %get3A_245] : memref<1x4096xf32, #tpu.memory_space<vmem>>, vector<1x4096xf32>
      %mul3A_247 = arith.mulf %get3A_246, %broadcast_in_dim3A_243 : vector<1x4096xf32>
      %reduce_sum3A_248 = vector.shape_cast %mul3A_247 : vector<1x4096xf32> to vector<1x1x4096xf32>
      %reduce_sum3A_249 = arith.constant dense<0.000000e+00> : vector<1xf32>
      %reduce_sum3A_250 = vector.multi_reduction <add>, %reduce_sum3A_248, %reduce_sum3A_249 [1, 2] : vector<1x1x4096xf32> to vector<1xf32>
      %reduce_sum3A_251 = vector.shape_cast %reduce_sum3A_250 : vector<1xf32> to vector<1x1x1xf32>
      %reduce_sum3A_252 = vector.extract %reduce_sum3A_251[0, 0, 0] : f32 from vector<1x1x1xf32>
      %broadcast_in_dim3A_253 = vector.broadcast %reduce_sum3A_252 : f32 to vector<1x1xf32>
      %get3A_254 = arith.constant 0 : index
      %get3A_255 = arith.constant 0 : index
      %get3A_256 = vector.load %arg10[%get3A_254, %get3A_255] : memref<1x1xf32, #tpu.memory_space<vmem>>, vector<1x1xf32>
      %add3A_257 = arith.addf %get3A_256, %broadcast_in_dim3A_253 : vector<1x1xf32>
      %get3A_258 = arith.constant 0 : index
      %get3A_259 = arith.constant 0 : index
      %get3A_260 = vector.load %arg11[%get3A_258, %get3A_259] : memref<1x1xf32, #tpu.memory_space<vmem>>, vector<1x1xf32>
      %mul3A_261 = arith.constant 2.000000e+00 : f32
      %mul3A_262 = vector.broadcast %mul3A_261 : f32 to vector<1x1xf32>
      %mul3A_263 = arith.mulf %mul3A_262, %get3A_260 : vector<1x1xf32>
      %sub3A_264 = arith.subf %add3A_257, %mul3A_263 : vector<1x1xf32>
      %mul3A_265 = arith.constant 2.98023224E-8 : f32
      %mul3A_266 = vector.broadcast %mul3A_265 : f32 to vector<1x1xf32>
      %mul3A_267 = arith.mulf %mul3A_266, %sub3A_264 : vector<1x1xf32>
      %swap3A_268 = arith.constant 0 : index
      %swap3A_269 = arith.constant 0 : index
      %swap3A_270 = vector.load %arg6[%swap3A_268, %swap3A_269] : memref<1x1xf32, #tpu.memory_space<vmem>>, vector<1x1xf32>
      tpu.vector_store %arg6[%swap3A_268, %swap3A_269], %mul3A_267 {strides = array<i32>} : memref<1x1xf32, #tpu.memory_space<vmem>>, vector<1x1xf32>,
      %get3A_271 = arith.constant 0 : index
      %get3A_272 = arith.constant 0 : index
      %get3A_273 = vector.load %arg9[%get3A_271, %get3A_272] : memref<1x4096xf32, #tpu.memory_space<vmem>>, vector<1x1024xf32>
      %get3A_274 = arith.constant 0 : index
      %get3A_275 = arith.constant 1024 : index
      %get3A_276 = vector.load %arg9[%get3A_274, %get3A_275] : memref<1x4096xf32, #tpu.memory_space<vmem>>, vector<1x1024xf32>
      %add3A_277 = arith.addf %get3A_273, %get3A_276 : vector<1x1024xf32>
      %get3A_278 = arith.constant 0 : index
      %get3A_279 = arith.constant 2048 : index
      %get3A_280 = vector.load %arg9[%get3A_278, %get3A_279] : memref<1x4096xf32, #tpu.memory_space<vmem>>, vector<1x1024xf32>
      %add3A_281 = arith.addf %add3A_277, %get3A_280 : vector<1x1024xf32>
      %get3A_282 = arith.constant 0 : index
      %get3A_283 = arith.constant 3072 : index
      %get3A_284 = vector.load %arg9[%get3A_282, %get3A_283] : memref<1x4096xf32, #tpu.memory_space<vmem>>, vector<1x1024xf32>
      %add3A_285 = arith.addf %add3A_281, %get3A_284 : vector<1x1024xf32>
      %gt3A = arith.constant 5.000000e-01 : f32
      %gt3A_286 = vector.broadcast %gt3A : f32 to vector<1x1024xf32>
      %gt3A_287 = arith.cmpf ogt, %add3A_285, %gt3A_286 : vector<1x1024xf32>
      %convert_element_type3A_288 = arith.extui %gt3A_287 : vector<1x1024xi1> to vector<1x1024xi32>
      %reduce_sum3A_289 = vector.shape_cast %convert_element_type3A_288 : vector<1x1024xi32> to vector<1x1x1024xi32>
      %reduce_sum3A_290 = arith.constant dense<0> : vector<1xi32>
      %reduce_sum3A_291 = vector.multi_reduction <add>, %reduce_sum3A_289, %reduce_sum3A_290 [1, 2] : vector<1x1x1024xi32> to vector<1xi32>
      %reduce_sum3A_292 = vector.shape_cast %reduce_sum3A_291 : vector<1xi32> to vector<1x1x1xi32>
      %reduce_sum3A_293 = vector.extract %reduce_sum3A_292[0, 0, 0] : i32 from vector<1x1x1xi32>
      %broadcast_in_dim3A_294 = vector.broadcast %reduce_sum3A_293 : i32 to vector<1x1xi32>
      %swap3A_295 = arith.constant 0 : index
      %swap3A_296 = arith.constant 0 : index
      %swap3A_297 = vector.load %arg7[%swap3A_295, %swap3A_296] : memref<1x1xi32, #tpu.memory_space<vmem>>, vector<1x1xi32>
      tpu.vector_store %arg7[%swap3A_295, %swap3A_296], %broadcast_in_dim3A_294 {strides = array<i32>} : memref<1x1xi32, #tpu.memory_space<vmem>>, vector<1x1xi32>,
    } else {
    }
    return
  }
  func.func @transform_0(%arg0: i32) -> (i32, i32) {
    %c0_i32 = arith.constant 0 : i32
    %c0_i32_0 = arith.constant 0 : i32
    return %arg0, %c0_i32 : i32, i32
  }
  func.func @transform_1(%arg0: i32) -> (i32, i32) {
    %c0_i32 = arith.constant 0 : i32
    %c0_i32_0 = arith.constant 0 : i32
    %c0_i32_1 = arith.constant 0 : i32
    return %c0_i32, %c0_i32_0 : i32, i32
  }
  func.func @transform_2(%arg0: i32) -> (i32, i32) {
    %c0_i32 = arith.constant 0 : i32
    %c0_i32_0 = arith.constant 0 : i32
    %c0_i32_1 = arith.constant 0 : i32
    return %c0_i32, %c0_i32_0 : i32, i32
  }
  func.func @transform_3(%arg0: i32) -> (i32, i32, i32) {
    %c0_i32 = arith.constant 0 : i32
    %c0_i32_0 = arith.constant 0 : i32
    %c0_i32_1 = arith.constant 0 : i32
    %c0_i32_2 = arith.constant 0 : i32
    return %c0_i32, %c0_i32_0, %c0_i32_1 : i32, i32, i32
  }
  func.func @transform_4(%arg0: i32) -> (i32, i32) {
    %c0_i32 = arith.constant 0 : i32
    %c0_i32_0 = arith.constant 0 : i32
    return %arg0, %c0_i32 : i32, i32
  }
  func.func @transform_5(%arg0: i32) -> (i32, i32) {
    %c0_i32 = arith.constant 0 : i32
    %c0_i32_0 = arith.constant 0 : i32
    %c0_i32_1 = arith.constant 0 : i32
    return %c0_i32, %c0_i32_0 : i32, i32
  }
  func.func @transform_6(%arg0: i32) -> (i32, i32) {
    %c0_i32 = arith.constant 0 : i32
    %c0_i32_0 = arith.constant 0 : i32
    %c0_i32_1 = arith.constant 0 : i32
    return %c0_i32, %c0_i32_0 : i32, i32
  }
}

</mosaic_0001>

<sc_bundles>
// kernel: kernel.4.cloned.1.call-start
scs
__scs_entry_jumppad:
0x0: {  	(pc) =	sbr.rel $0x88, $3  }
0x1: {  	(tag) =	ssettag $0x0;
	lr =	simm.s32 $0x1  }
0x2: {  	[smem:$0x3F9D] =	sst lr;
	_ =	strace $0xD0000000  }
0x3: {  	_ = 	snop  }
0x4: {  	_ = 	snop  }
0x5: {  	_ = 	snop  }
0x6: {  	_ = 	snop  }
0x7: {  	_ = 	snop  }
__scs_overlays_trampoline_lowered:
0x8: {  	[smem:$0x3FAC] =	sst s0  }
0x9: {  	[smem:$0x3FAD] =	sst s1  }
0xa: {  	[smem:$0x3FAE] =	sst s2  }
0xb: {  	[smem:$0x3FAF] =	sst s3  }
0xc: {  	[smem:$0x3FB0] =	sst s4  }
0xd: {  	[smem:$0x3FB1] =	sst s5  }
0xe: {  	[smem:$0x3FB2] =	sst s6  }
0xf: {  	[smem:$0x3FB3] =	sst s7  }
0x10: {  	[smem:$0x3FB4] =	sst s8  }
0x11: {  	[smem:$0x3FB5] =	sst s9;
	s0 =	simm.s32 @!p0 $0x0  }
0x12: {  	s1 =	sld [smem:$0x3F9B];
	s0 =	simm.s32 @p0 $0x1  }
0x13: {  	[smem:$0x3FB6] =	sst s0;
	s0 =	simm.s32 @!p1 $0x0  }
0x14: {  	s2 =	sld [smem:$0x3F9A];
	s0 =	simm.s32 @p1 $0x1  }
0x15: {  	[smem:$0x3FB7] =	sst s0;
	s0 =	simm.s32 @!p2 $0x0  }
0x16: {  	s3 =	sld [smem:$0x3FDB];
	s0 =	simm.s32 @p2 $0x1  }
0x17: {  	s4 =	simm.s32 $0x1BF5;
	[smem:$0x3FB9] =	sst s0  }
0x18: {  	s0 =	sld [smem:$0x3F9C];
	_ =	swait.ge [sflag:s4], $0x0  }
0x19: {  	s7 =	sld [smem:$0x3F9D]  }
0x1a: {  	s8 =	sadd.s32 $0xFFFFE003, lr  }
0x1b: {  	s9 =	sadd.s32 $0xFFFFFEF7, lr;
	s5 =	simm.s32 $0xFFFFFFFF;
	p2 =	slt.u32 s8, $0xFFFFF086  }
0x1c: {  	p1 =	slt.u32 s9, $0xF7A;
	s5 =	simm.s32 @!p2 $0x0  }
0x1d: {  	s5 =	simm.s32 @p1 $0x1;
	p0 =	seq.s32 s7, s2  }
0x1e: {  	s7 =	smul.u32 @!p0 $0xF7A, s2;
	p2 =	seq.s32 @!p0 s5, $0x0  }
0x1f: {  	s9 =	smul.u32 $0xF7A, s1;
	s8 =	simm.s32 @!p0 $0x1BF5;
	p2 =	por !p2, p0  }
0x20: {  	[sflag:s8] =	ssyncset.s32 @!p0 $0xFFFFF086;
	s6 =	sadd.s32 @!p0 s3, s7;
	s7 =	simm.s32 @!p0 $0x108  }
0x21: {  	s3 =	sadd.s32 s3, s9;
	s6 =	sadd.s32 @!p0 $0x88, s6;
	s7 =	simm.s32 @p2 $0x1082  }
0x22: {  	[simem:s7], [sflag:s8] =	dma.local @!p0 [hbm:s6], $0xF7A  }
0x23: {  	s9 =	sor.u32 $0xD0000000, s2;
	s6 =	simm.s32 $0x108;
	_ =	swait.ge @!p0 [sflag:s8], $0x0  }
0x24: {  	s3 =	sadd.s32 $0x88, s3;
	s6 =	simm.s32 @!p1 $0x1082;
	[sflag:s4] =	ssyncset.s32 $0xFFFFF086  }
0x25: {  	[simem:s6], [sflag:s4] =	dma.local [hbm:s3], $0xF7A  }
0x26: {  	[smem:$0x3F9D] =	sst s1;
	(tag) =	ssettag s2;
	_ =	strace s9  }
0x27: {  	s1 =	sld [smem:$0x3FAD]  }
0x28: {  	s2 =	sld [smem:$0x3FAE]  }
0x29: {  	s4 =	sld [smem:$0x3FB0]  }
0x2a: {  	p0 =	seq.s32 s5, $0x0;
	s5 =	sld [smem:$0x3FB1]  }
0x2b: {  	s6 =	sld [smem:$0x3FB2]  }
0x2c: {  	s7 =	sld [smem:$0x3FB3]  }
0x2d: {  	s3 =	simm.s32 $0x108;
	s8 =	sld [smem:$0x3FB4]  }
0x2e: {  	s3 =	simm.s32 @!p0 $0x1082;
	s9 =	sld [smem:$0x3FB5]  }
0x2f: {  	lr =	sadd.s32 s0, s3;
	s0 =	sld [smem:$0x3FAC]  }
0x30: {  	s3 =	sld [smem:$0x3FAF]  }
0x31: {  	[smem:$0x3FB8] =	sst s10  }
0x32: {  	s10 =	sld [smem:$0x3FB6];
	_ =	sdelay $0x3  }
0x33: {  	p0 =	seq.s32 s10, $0x1;
	s10 =	sld [smem:$0x3FB8];
	_ =	sdelay $0x3  }
0x34: {  	[smem:$0x3FB8] =	sst s10  }
0x35: {  	s10 =	sld [smem:$0x3FB7];
	_ =	sdelay $0x3  }
0x36: {  	p1 =	seq.s32 s10, $0x1;
	s10 =	sld [smem:$0x3FB8];
	_ =	sdelay $0x3  }
0x37: {  	[smem:$0x3FB8] =	sst s10  }
0x38: {  	s10 =	sld [smem:$0x3FB9]  }
0x39: {  	_ = 	snop;
	(pc) =	sbr.ind lr, $3  }
0x3a: {  	_ = 	snop  }
0x3b: {  	_ = 	snop  }
0x3c: {  	p2 =	seq.s32 s10, $0x1;
	s10 =	sld [smem:$0x3FB8]  }
0x3d: {  	_ =	shalt  }
0x3e: {  	_ =	shalt  }
0x3f: {  	_ =	shalt  }
0x40: {  	_ =	shalt  }
0x41: {  	_ =	shalt  }
0x42: {  	_ =	shalt  }
0x43: {  	_ =	shalt  }
0x44: {  	_ =	shalt  }
0x45: {  	_ =	shalt  }
0x46: {  	_ =	shalt  }
0x47: {  	_ =	shalt  }
0x48: {  	_ =	shalt  }
0x49: {  	_ =	shalt  }
0x4a: {  	_ =	shalt  }
0x4b: {  	_ =	shalt  }
0x4c: {  	_ =	shalt  }
0x4d: {  	_ =	shalt  }
0x4e: {  	_ =	shalt  }
0x4f: {  	_ =	shalt  }
0x50: {  	_ =	shalt  }
0x51: {  	_ =	shalt  }
0x52: {  	_ =	shalt  }
0x53: {  	_ =	shalt  }
0x54: {  	_ =	shalt  }
0x55: {  	_ =	shalt  }
0x56: {  	_ =	shalt  }
0x57: {  	_ =	shalt  }
0x58: {  	_ =	shalt  }
0x59: {  	_ =	shalt  }
0x5a: {  	_ =	shalt  }
0x5b: {  	_ =	shalt  }
0x5c: {  	_ =	shalt  }
0x5d: {  	_ =	shalt  }
0x5e: {  	_ =	shalt  }
0x5f: {  	_ =	shalt  }
0x60: {  	_ =	shalt  }
0x61: {  	_ =	shalt  }
0x62: {  	_ =	shalt  }
0x63: {  	_ =	shalt  }
0x64: {  	_ =	shalt  }
0x65: {  	_ =	shalt  }
0x66: {  	_ =	shalt  }
0x67: {  	_ =	shalt  }
0x68: {  	_ =	shalt  }
0x69: {  	_ =	shalt  }
0x6a: {  	_ =	shalt  }
0x6b: {  	_ =	shalt  }
0x6c: {  	_ =	shalt  }
0x6d: {  	_ =	shalt  }
0x6e: {  	_ =	shalt  }
0x6f: {  	_ =	shalt  }
0x70: {  	_ =	shalt  }
0x71: {  	_ =	shalt  }
0x72: {  	_ =	shalt  }
0x73: {  	_ =	shalt  }
0x74: {  	_ =	shalt  }
0x75: {  	_ =	shalt  }
0x76: {  	_ =	shalt  }
0x77: {  	_ =	shalt  }
0x78: {  	_ =	shalt  }
0x79: {  	_ =	shalt  }
0x7a: {  	_ =	shalt  }
0x7b: {  	_ =	shalt  }
0x7c: {  	_ =	shalt  }
0x7d: {  	_ =	shalt  }
0x7e: {  	_ =	shalt  }
0x7f: {  	_ =	shalt  }
0x80: {  	_ =	shalt  }
0x81: {  	_ =	shalt  }
0x82: {  	_ =	shalt  }
0x83: {  	_ =	shalt  }
0x84: {  	_ =	shalt  }
0x85: {  	_ =	shalt  }
0x86: {  	_ =	shalt  }
0x87: {  	_ =	shalt  }
.Lfunc_end0:
.L_simem_size_0:
called_computation_lowered:
.L_overlay_start_0:
0x88: {  	s2 =	sld [smem:$0x3FD9]  }
0x89: {  	s3 =	sld [smem:$0x3FFE];
	_ =	sdelay $0x1  }
0x8a: {  	s1 =	srdreg.scid  }
0x8b: {  	s0 =	sand.u32 $0x1, s1  }
0x8c: {  	s14 =	sshll.u32 s0, $0xA;
	s2 =	sadd.s32 s3, s2  }
0x8d: {  	s2 =	sadd.s32 s2, s14  }
0x8e: {  	[smem:$0x3FC4] =	sst s2  }
0x8f: {  	_ = 	snop  }
0x90: {  	s2 =	sld [smem:$0x3FD0];
	_ =	sdelay $0x2  }
0x91: {  	s15 =	simm.s32 $0xA;
	s4 =	simm.s32 $0x10  }
0x92: {  	[smem:s4], [sflag:s15] =	dma.local [hbm:s2], $0x1  }
0x93: {  	_ =	swait.eq [sflag:s15], $0x1  }
0x94: {  	[sflag:s15] =	ssyncset.done $0x0  }
0x95: {  	[sflag:s15] =	ssyncadd.s32 $0xFFFFFFFF  }
0x96: {  	s16 =	sld [smem:$0x10];
	(tm) =	ssettm $0x1  }
0x97: {  	s17 =	sld [smem:$0x3FFB];
	_ =	sdelay $0x3  }
0x98: {  	_ =	strace s17  }
0x99: {  	s3 =	sld [smem:$0x3FFC];
	_ =	sdelay $0x3  }
0x9a: {  	_ =	strace s3  }
0x9b: {  	s3 =	sld [smem:$0x3FFD];
	_ =	sdelay $0x3  }
0x9c: {  	_ =	strace s3  }
0x9d: {  	_ =	strace $0x8FFFFFFF  }
0x9e: {  	s18 =	sld [smem:$0x3FDB];
	_ =	sdelay $0x1  }
0x9f: {  	s19 =	simm.s32 $_scs_section_size  }
0xa0: {  	s5 =	simm.s32 $_size__tile_overlayer_lowered;
	s6 =	simm.s32 $_tile_overlayer_lowered  }
0xa1: {  	s22 =	simm.s32 $0x1BFF;
	s21 =	sshll.u32 s6, $0x1;
	s3 =	sadd.s32 s19, s18  }
0xa2: {  	s7 =	simm.s32 $0x0;
	s20 =	sshll.u32 s5, $0x1;
	s5 =	sadd.s32 s21, s3  }
0xa3: {  	[timem:s7], [sflag:s22] =	dma.local [hbm:s5], s20  }
0xa4: {  	_ =	swait.ge [sflag:s22], s20  }
0xa5: {  	s4 =	ssub.s32 $0x0, s20;
	[sflag:s22] =	ssyncset.done $0x0  }
0xa6: {  	[sflag:s22] =	ssyncadd.s32 s4;
	_ =	sdelay $0x1  }
0xa7: {  	s23 =	simm.s32 $0x1B8B  }
0xa8: {  	_ =	swait.ge [sflag:s23], $0x1  }
0xa9: {  	[sflag:s23] =	ssyncset.done $0x0  }
0xaa: {  	s25 =	simm.s32 $0x1B8E;
	s24 =	sld [smem:$0x3FFE];
	[sflag:s23] =	ssyncadd.s32 $0xFFFFFFFF  }
0xab: {  	s26 =	simm.s32 $execute0_lowered;
	[smem:$0x3FD2] =	sst s25  }
0xac: {  	s5 =	sshll.u32 s26, $0x1;
	_ =	strace $0x80000046;
	[dreg:$0x1] =	wrdreg $0xFFFFFFFF  }
0xad: {  	s28 =	simm.s32 $_size_execute0_lowered;
	s3 =	sadd.s32 s3, s5;
	[dreg:$0x0] =	wrdreg $0x0  }
0xae: {  	s5 =	sshll.u32 s28, $0x1;
	[dreg:$0x2] =	wrdreg s3  }
0xaf: {  	[dreg:$0x3] =	wrdreg s5  }
0xb0: {  	[dreg:$0x4] =	wrdreg $0xC0  }
0xb1: {  	_ =	task [dreg:s7], $0x5FFFF  }
0xb2: {  	[dreg:$0x1] =	wrdreg $0xFFFFFFFF  }
0xb3: {  	[dreg:$0x0] =	wrdreg $0x60  }
0xb4: {  	[dreg:$0x2] =	wrdreg s16  }
0xb5: {  	[dreg:$0x3] =	wrdreg s24  }
0xb6: {  	[dreg:$0x4] =	wrdreg $0x9  }
0xb7: {  	_ =	task.clear_ibuf [dreg:s7], $0x5FFFF;
	_ =	strace $0x90000046  }
0xb8: {  	s29 =	simm.s32 $0x9;
	_ =	strace $0x80000048  }
0xb9: {  	_ =	swait.ge [sflag:s29], $0x1  }
0xba: {  	[sflag:s29] =	ssyncadd.s32 $0xFFFFFFFF  }
0xbb: {  	_ =	strace $0x90000048  }
0xbc: {  	_ =	sfence  }
0xbd: {  	s30 =	sld [smem:$0x0];
	_ =	sdelay $0x2  }
0xbe: {  	s31 =	sshll.u32 s1, $0xD;
	s1 =	sshrl.u32 s1, $0x2  }
0xbf: {  	s3 =	sand.u32 $0x4000, s31;
	s1 =	sadd.s32 s1, s30  }
0xc0: {  	s0 =	sor.u32 s3, s0;
	s1 =	sshll.u32 s1, $0x11  }
0xc1: {  	s0 =	sor.u32 s1, s0  }
0xc2: {  	s0 =	sadd.s32 $0x8F2B, s0  }
0xc3: {  	[sflag:s0] =	ssyncadd.remote.s32 $0x1  }
0xc4: {  	_ =	sfence.sel $0xFFFF  }
0xc5: {  	[dreg:$0x0] =	wrdreg $0xFFFFFFFF;
	(pc) =	sbr.abs _section_cstart, $3  }
0xc6: {  	[dreg:$0x1] =	wrdreg $0xFFFFFFFF  }
0xc7: {  	_ =	task.clear_ibuf [dreg:s7], $0x2FFFF;
	_ =	strace $0x9FFFFFFF  }
0xc8: {  	(tm) =	ssettm $0x7FFFFFFF  }
0xc9: {  	_ =	shalt  }
tec
execute0_lowered:
.L_overlay_start_1:
0x0: {  	(tag) =	ssettag $0x1  }
0x1: {  	s1 =	srdreg.scid  }
0x2: {  	s2 =	rddreg [dreg:$0x0];
	s0 =	stileid.u32;
	s14 =	sand.u32 $0x1, s1  }
0x3: {  	s8 =	rddreg [dreg:$0x1];
	s4 =	sshll.u32 s0, $0xD;
	s5 =	sshll.u32 s14, $0xC  }
0x4: {  	s3 =	simm.s32 $0x0;
	s1 =	rddreg [dreg:$0x2];
	s13 =	sor.u32 s5, s4  }
0x5: {  	[smem:$0x7FF] =	sst s3;
	s15 =	sadd.s32 $0xC00, s8;
	s4 =	sshrl.u32 s13, $0x3  }
0x6: {  	_ =	strace $0x80000047;
	s5 =	sadd.s32 s15, s4;
	s4 =	simm.s32 $0x2  }
0x7: {  	[tilespmem:s3], [sflag:$0x2] =	stream.linear.gather [hbm4b:s5+s3], $0x400, $0x38;
	[tilespmem:$0x10400] =	vst v63  }
0x8: {  	_ =	swait.ge [sflag:s4], $0x400  }
0x9: {  	[sflag:s4] =	ssyncset.done $0x0  }
0xa: {  	s6 =	simm.s32 $0x400;
	s7 =	simm.s32 $0x1;
	[sflag:s4] =	ssyncadd.s32 $0xFFFFFC00  }
0xb: {  	[tilespmem:s6], [sflag:$0x1] =	stream.indirect.gather [hbm4b:s2+s6], $0x40, s3, s6, $0xb8;
	[tilespmem:$0x10400] =	vst v63  }
0xc: {  	_ =	swait.ge [sflag:s7], $0x10000  }
0xd: {  	s16 =	sadd.s32 $0x4C00, s8;
	s29 =	sshll.u32 s13, $0x3;
	[sflag:s7] =	ssyncset.done $0x0  }
0xe: {  	s8 =	sadd.s32 s16, s29;
	[sflag:s7] =	ssyncadd.s32 $0xFFFF0000  }
0xf: {  	[hbm4b:s8+s3] =	stream.linear.scatter [tilespmem:s6], [sflag:$0x2], $0x10000, $0x38;
	[tilespmem:$0x10400] =	vst v63  }
0x10: {  	s10 =	sor.u32 $0x400, s13;
	_ =	swait.ge [sflag:s4], $0x10000  }
0x11: {  	s9 =	sshrl.u32 s10, $0x3;
	[sflag:s4] =	ssyncset.done $0x0  }
0x12: {  	s9 =	sadd.s32 s15, s9;
	[sflag:s4] =	ssyncadd.s32 $0xFFFF0000  }
0x13: {  	[tilespmem:s3], [sflag:$0x2] =	stream.linear.gather [hbm4b:s9+s3], $0x400, $0x38;
	[tilespmem:$0x10400] =	vst v63  }
0x14: {  	_ =	swait.ge [sflag:s4], $0x400  }
0x15: {  	[sflag:s4] =	ssyncset.done $0x0  }
0x16: {  	[sflag:s4] =	ssyncadd.s32 $0xFFFFFC00  }
0x17: {  	[tilespmem:s6], [sflag:$0x1] =	stream.indirect.gather [hbm4b:s2+s6], $0x40, s3, s6, $0xb8;
	[tilespmem:$0x10400] =	vst v63  }
0x18: {  	_ =	swait.ge [sflag:s7], $0x10000  }
0x19: {  	s10 =	sshll.u32 s10, $0x3;
	[sflag:s7] =	ssyncset.done $0x0  }
0x1a: {  	s10 =	sadd.s32 s16, s10;
	[sflag:s7] =	ssyncadd.s32 $0xFFFF0000  }
0x1b: {  	[hbm4b:s10+s3] =	stream.linear.scatter [tilespmem:s6], [sflag:$0x2], $0x10000, $0x38;
	[tilespmem:$0x10400] =	vst v63  }
0x1c: {  	s12 =	sor.u32 $0x800, s13;
	_ =	swait.ge [sflag:s4], $0x10000  }
0x1d: {  	s11 =	sshrl.u32 s12, $0x3;
	[sflag:s4] =	ssyncset.done $0x0  }
0x1e: {  	s11 =	sadd.s32 s15, s11;
	[sflag:s4] =	ssyncadd.s32 $0xFFFF0000  }
0x1f: {  	[tilespmem:s3], [sflag:$0x2] =	stream.linear.gather [hbm4b:s11+s3], $0x400, $0x38;
	[tilespmem:$0x10400] =	vst v63  }
0x20: {  	_ =	swait.ge [sflag:s4], $0x400  }
0x21: {  	[sflag:s4] =	ssyncset.done $0x0  }
0x22: {  	[sflag:s4] =	ssyncadd.s32 $0xFFFFFC00  }
0x23: {  	[tilespmem:s6], [sflag:$0x1] =	stream.indirect.gather [hbm4b:s2+s6], $0x40, s3, s6, $0xb8;
	[tilespmem:$0x10400] =	vst v63  }
0x24: {  	_ =	swait.ge [sflag:s7], $0x10000  }
0x25: {  	s12 =	sshll.u32 s12, $0x3;
	[sflag:s7] =	ssyncset.done $0x0  }
0x26: {  	s12 =	sadd.s32 s16, s12;
	[sflag:s7] =	ssyncadd.s32 $0xFFFF0000  }
0x27: {  	[hbm4b:s12+s3] =	stream.linear.scatter [tilespmem:s6], [sflag:$0x2], $0x10000, $0x38;
	[tilespmem:$0x10400] =	vst v63  }
0x28: {  	s17 =	sor.u32 $0xC00, s13;
	_ =	swait.ge [sflag:s4], $0x10000  }
0x29: {  	s13 =	sshrl.u32 s17, $0x3;
	[sflag:s4] =	ssyncset.done $0x0  }
0x2a: {  	s14 =	ssub.s32 $0x2, s14;
	s13 =	sadd.s32 s15, s13;
	[sflag:s4] =	ssyncadd.s32 $0xFFFF0000  }
0x2b: {  	[tilespmem:s3], [sflag:$0x2] =	stream.linear.gather [hbm4b:s13+s3], $0x400, $0x38;
	[tilespmem:$0x10400] =	vst v63  }
0x2c: {  	s30 =	sshrl.u32 s14, $0x1;
	_ =	swait.ge [sflag:s4], $0x400  }
0x2d: {  	s15 =	ssub.s32 s14, s30;
	[sflag:s4] =	ssyncset.done $0x0  }
0x2e: {  	s15 =	smax.u32 s15, $0x1;
	[sflag:s4] =	ssyncadd.s32 $0xFFFFFC00  }
0x2f: {  	[tilespmem:s6], [sflag:$0x1] =	stream.indirect.gather [hbm4b:s2+s6], $0x40, s3, s6, $0xb8;
	[tilespmem:$0x10400] =	vst v63  }
0x30: {  	p0 =	sne.s32 s15, $0x1;
	_ =	swait.ge [sflag:s7], $0x10000  }
.Ltmp0:
0x31: {  	s31 =	sshll.u32 s17, $0x3;
	[sflag:s7] =	ssyncset.done $0x0;
	(pc) =	sbr.rel @!p0 .LBB2_2-.Ltmp0, $4  }
0x32: {  	s14 =	sadd.s32 s16, s31;
	[sflag:s7] =	ssyncadd.s32 $0xFFFF0000  }
0x33: {  	[hbm4b:s14+s3] =	stream.linear.scatter [tilespmem:s6], [sflag:$0x2], $0x10000, $0x38;
	[tilespmem:$0x10400] =	vst v63  }
0x34: {  	_ =	swait.ge [sflag:s4], $0x10000  }
0x35: {  	s15 =	sadd.s32 $0xFFFFFFFF, s15;
	[sflag:s4] =	ssyncset.done $0x0  }
.LBB2_1:
0x36: {  	p0 =	sne.s32 s15, $0x1;
	s15 =	sadd.s32 $0xFFFFFFFF, s15;
	[sflag:s4] =	ssyncadd.s32 $0xFFFF0000  }
0x37: {  	[tilespmem:s3], [sflag:$0x2] =	stream.linear.gather [hbm4b:s5+s3], $0x400, $0x38;
	[tilespmem:$0x10400] =	vst v63  }
0x38: {  	_ =	swait.ge [sflag:s4], $0x400  }
0x39: {  	[sflag:s4] =	ssyncset.done $0x0  }
0x3a: {  	[sflag:s4] =	ssyncadd.s32 $0xFFFFFC00  }
0x3b: {  	[tilespmem:s6], [sflag:$0x1] =	stream.indirect.gather [hbm4b:s2+s6], $0x40, s3, s6, $0xb8;
	[tilespmem:$0x10400] =	vst v63  }
0x3c: {  	_ =	swait.ge [sflag:s7], $0x10000  }
0x3d: {  	[sflag:s7] =	ssyncset.done $0x0  }
0x3e: {  	[sflag:s7] =	ssyncadd.s32 $0xFFFF0000  }
0x3f: {  	[hbm4b:s8+s3] =	stream.linear.scatter [tilespmem:s6], [sflag:$0x2], $0x10000, $0x38;
	[tilespmem:$0x10400] =	vst v63  }
0x40: {  	_ =	swait.ge [sflag:s4], $0x10000  }
0x41: {  	[sflag:s4] =	ssyncset.done $0x0  }
0x42: {  	[sflag:s4] =	ssyncadd.s32 $0xFFFF0000  }
0x43: {  	[tilespmem:s3], [sflag:$0x2] =	stream.linear.gather [hbm4b:s9+s3], $0x400, $0x38;
	[tilespmem:$0x10400] =	vst v63  }
0x44: {  	_ =	swait.ge [sflag:s4], $0x400  }
0x45: {  	[sflag:s4] =	ssyncset.done $0x0  }
0x46: {  	[sflag:s4] =	ssyncadd.s32 $0xFFFFFC00  }
0x47: {  	[tilespmem:s6], [sflag:$0x1] =	stream.indirect.gather [hbm4b:s2+s6], $0x40, s3, s6, $0xb8;
	[tilespmem:$0x10400] =	vst v63  }
0x48: {  	_ =	swait.ge [sflag:s7], $0x10000  }
0x49: {  	[sflag:s7] =	ssyncset.done $0x0  }
0x4a: {  	[sflag:s7] =	ssyncadd.s32 $0xFFFF0000  }
0x4b: {  	[hbm4b:s10+s3] =	stream.linear.scatter [tilespmem:s6], [sflag:$0x2], $0x10000, $0x38;
	[tilespmem:$0x10400] =	vst v63  }
0x4c: {  	_ =	swait.ge [sflag:s4], $0x10000  }
0x4d: {  	[sflag:s4] =	ssyncset.done $0x0  }
0x4e: {  	[sflag:s4] =	ssyncadd.s32 $0xFFFF0000  }
0x4f: {  	[tilespmem:s3], [sflag:$0x2] =	stream.linear.gather [hbm4b:s11+s3], $0x400, $0x38;
	[tilespmem:$0x10400] =	vst v63  }
0x50: {  	_ =	swait.ge [sflag:s4], $0x400  }
0x51: {  	[sflag:s4] =	ssyncset.done $0x0  }
0x52: {  	[sflag:s4] =	ssyncadd.s32 $0xFFFFFC00  }
0x53: {  	[tilespmem:s6], [sflag:$0x1] =	stream.indirect.gather [hbm4b:s2+s6], $0x40, s3, s6, $0xb8;
	[tilespmem:$0x10400] =	vst v63  }
0x54: {  	_ =	swait.ge [sflag:s7], $0x10000  }
0x55: {  	[sflag:s7] =	ssyncset.done $0x0  }
0x56: {  	[sflag:s7] =	ssyncadd.s32 $0xFFFF0000  }
0x57: {  	[hbm4b:s12+s3] =	stream.linear.scatter [tilespmem:s6], [sflag:$0x2], $0x10000, $0x38;
	[tilespmem:$0x10400] =	vst v63  }
0x58: {  	_ =	swait.ge [sflag:s4], $0x10000  }
0x59: {  	[sflag:s4] =	ssyncset.done $0x0  }
0x5a: {  	[sflag:s4] =	ssyncadd.s32 $0xFFFF0000  }
0x5b: {  	[tilespmem:s3], [sflag:$0x2] =	stream.linear.gather [hbm4b:s13+s3], $0x400, $0x38;
	[tilespmem:$0x10400] =	vst v63  }
0x5c: {  	_ =	swait.ge [sflag:s4], $0x400  }
0x5d: {  	[sflag:s4] =	ssyncset.done $0x0  }
0x5e: {  	[sflag:s4] =	ssyncadd.s32 $0xFFFFFC00  }
0x5f: {  	[tilespmem:s6], [sflag:$0x1] =	stream.indirect.gather [hbm4b:s2+s6], $0x40, s3, s6, $0xb8;
	[tilespmem:$0x10400] =	vst v63  }
0x60: {  	_ =	swait.ge [sflag:s7], $0x10000  }
.Ltmp1:
0x61: {  	[sflag:s7] =	ssyncset.done $0x0;
	(pc) =	sbr.rel @p0 .LBB2_1-.Ltmp1, $4  }
0x62: {  	[sflag:s7] =	ssyncadd.s32 $0xFFFF0000  }
0x63: {  	[hbm4b:s14+s3] =	stream.linear.scatter [tilespmem:s6], [sflag:$0x2], $0x10000, $0x38;
	[tilespmem:$0x10400] =	vst v63  }
0x64: {  	_ =	swait.ge [sflag:s4], $0x10000  }
0x65: {  	[sflag:s4] =	ssyncset.done $0x0  }
.LBB2_2:
0x66: {  	[sflag:s4] =	ssyncadd.s32 $0xFFFF0000  }
0x67: {  	_ =	sfence.sel $0x180000  }
0x68: {  	[bflag:$0x0] =	sbarrier.arrive $0xFFFF  }
0x69: {  	p0 =	sne.s32 s0, $0x0;
	_ =	strace $0x90000047  }
0x6a: {  	s0 =	sadd.s32 @!p0 $0x100000, s1;
	[bflag:$0x2] =	sbarrier.arrive $0xFFFF  }
0x6b: {  	[sflag:s0] =	ssyncadd.tile.s32 @!p0 $0x1;
	_ =	shalt  }
.Lfunc_end2:
_tile_overlayer_lowered:
.L_overlay_start_2:
0x6c: {  	(tag) =	ssettag $0x2  }
0x6d: {  	s0 =	rddreg [dreg:$0x0];
	s2 =	stileid.u32  }
0x6e: {  	s1 =	rddreg [dreg:$0x1];
	p0 =	sne.s32 s2, $0x0  }
0x6f: {  	s3 =	rddreg [dreg:$0x2];
	[bflag:$0x3] =	sbarrier.arrive $0xFFFF;
	s2 =	simm.s32 @!p0 $0x1C02  }
0x70: {  	[timem:s3], [sflag:s2] =	dma.local @!p0 [hbm:s0], s1  }
0x71: {  	s0 =	simm.s32 @!p0 $0x2  }
0x72: {  	_ =	swait.ge @!p0 [sflag:s0], s1  }
0x73: {  	s1 =	ssub.s32 @!p0 $0x0, s1;
	[sflag:s0] =	ssyncset.done @!p0 $0x0  }
0x74: {  	[sflag:s0] =	ssyncadd.s32 @!p0 s1  }
0x75: {  	[bflag:$0x3] =	sbarrier.arrive $0xFFFF  }
0x76: {  	_ =	shalt  }

</sc_bundles>
